<compile_context>
chip_gen: v7x
topology: tpu7x:2x2x1
jax: 0.10.2.dev20260603
libtpu: 0.0.44.dev20260713+nightly
codegen_flags: <defaults>
</compile_context>

<pallas_src>
import functools
import math

import jax
import jax.numpy as jnp
from jax import lax
from jax.experimental import pallas as pl
from jax.experimental.pallas import tpu as pltpu
from jax.experimental.pallas import tpu_sc as plsc


_NC = 2
_NS = 16
_NW = _NC * _NS

_CH = 128


_NB = 2
_GPS = 2


def _make_sc_gather(n, v, d):
    scale = jnp.float32(math.sqrt(d))
    sch = _CH * _GPS
    assert n % (_NW * sch * _NB) == 0 and d % 16 == 0
    chunks_per_w = n // (_NW * _CH)
    sc_per_w = chunks_per_w // _GPS
    mesh = plsc.VectorSubcoreMesh(core_axis_name="c", subcore_axis_name="s")

    @functools.partial(
        pl.kernel,
        mesh=mesh,
        out_type=jax.ShapeDtypeStruct((n, d), jnp.float32),
        scratch_types=[
            pltpu.VMEM((chunks_per_w, _CH), jnp.int32),
            [pltpu.VMEM((sch, d), jnp.float32)] * _NB,
            [[pltpu.SemaphoreType.DMA] * _GPS] * _NB,
            [pltpu.SemaphoreType.DMA] * _NB,
        ],
    )
    def k(table_hbm, idx_hbm, out_hbm, idx_v, rows, gsems, ssems):
        wid = lax.axis_index("s") * _NC + lax.axis_index("c")
        base = wid * (chunks_per_w * _CH)
        pltpu.sync_copy(idx_hbm.at[wid], idx_v)

        def fill(sb, sc):
            for h in range(_GPS):
                pltpu.async_copy(
                    table_hbm.at[idx_v.at[sc * _GPS + h]],
                    rows[sb].at[pl.ds(h * _CH, _CH)],
                    gsems[sb][h],
                )

        for sb in range(_NB):
            fill(sb, sb)

        def body(s, _):
            for sb in range(_NB):
                for h in range(_GPS):
                    pltpu.make_async_copy(
                        table_hbm.at[idx_v.at[0]],
                        rows[sb].at[pl.ds(h * _CH, _CH)],
                        gsems[sb][h],
                    ).wait()

                def scale_row(r, _, sb=sb):
                    for j in range(d // 16):
                        sl = (r, pl.ds(j * 16, 16))
                        rows[sb][sl] = rows[sb][sl] * scale
                    return 0

                lax.fori_loop(0, sch, scale_row, 0)
                pltpu.async_copy(
                    rows[sb],
                    out_hbm.at[pl.ds(base + (s + sb) * sch, sch)],
                    ssems[sb],
                )
            for sb in range(_NB):
                s_next = s + _NB + sb

                @pl.when(s_next < sc_per_w)
                def _():
                    pltpu.make_async_copy(
                        rows[sb], out_hbm.at[pl.ds(base, sch)], ssems[sb]
                    ).wait()
                    fill(sb, s_next)

            return 0

        lax.fori_loop(0, sc_per_w // _NB, lambda s, c: body(s * _NB, c), 0)

        for sb in range(_NB):
            pltpu.make_async_copy(
                rows[sb], out_hbm.at[pl.ds(base, sch)], ssems[sb]
            ).wait()

    return k


def kernel(tokens, table):
    b, l = tokens.shape
    v, d = table.shape
    n = b * l
    idx = tokens.reshape(_NW, n // (_NW * _CH), _CH).astype(jnp.int32)
    out = _make_sc_gather(n, v, d)(table, idx)
    return out.reshape(b, l, d)

# --- scband reference (transcript-rebuilt; emitter-appended) ---
"""Pipeline reference for scband-token-embedding-86646670230052 (READ-ONLY COPY).

The authoritative reference and input builder live on the scoring server;
editing this copy changes nothing except your own understanding.
"""

import jax, jax.numpy as jnp
import numpy as np
import math

VOCAB = 100000
EMB = 128
B = 4096
L = 200

def setup_inputs(seed: int = 0) -> dict:
    key = jax.random.key(seed)
    k1, k2 = jax.random.split(key)
    tokens = jax.random.randint(k1, (B, L), 0, VOCAB, dtype=jnp.int64)
    table = jax.random.normal(k2, (VOCAB, EMB), dtype=jnp.float32)
    return {"tokens": tokens, "table": table}

def reference(tokens, table):
    # TokenEmbedding.forward: embedding(tokens.long()) * sqrt(emb_size)
    emb = jnp.take(table, tokens, axis=0)
    return emb * math.sqrt(EMB)

if __name__ == "__main__":
    import jax
    _d = setup_inputs()
    print(jax.jit(kernel)(*tuple(_d.values())))

</pallas_src>

<mosaic_0001>
#map = affine_map<(d0, d1) -> (0, 0)>
#map1 = affine_map<(d0, d1) -> (0, 0, 0)>
#map2 = affine_map<(d0, d1) -> (0)>
module attributes {stable_mosaic.version = 14 : i64} {
  func.func @_rewritten_body(%arg0: i32, %arg1: i32, %arg2: memref<100000x128xf32, #tpu.memory_space<hbm>>, %arg3: memref<32x200x128xi32, #tpu.memory_space<hbm>>, %arg4: memref<1xf32, #tpu.memory_space<hbm>>, %arg5: memref<819200x128xf32, #tpu.memory_space<hbm>>, %arg6: memref<200x128xi32, #tpu.memory_space<vmem>>, %arg7: memref<256x128xf32, #tpu.memory_space<vmem>>, %arg8: memref<256x128xf32, #tpu.memory_space<vmem>>, %arg9: memref<!tpu.dma_semaphore, #tpu.memory_space<semaphore_mem>>, %arg10: memref<!tpu.dma_semaphore, #tpu.memory_space<semaphore_mem>>, %arg11: memref<!tpu.dma_semaphore, #tpu.memory_space<semaphore_mem>>, %arg12: memref<!tpu.dma_semaphore, #tpu.memory_space<semaphore_mem>>, %arg13: memref<!tpu.dma_semaphore, #tpu.memory_space<semaphore_mem>>, %arg14: memref<!tpu.dma_semaphore, #tpu.memory_space<semaphore_mem>>) attributes {dimension_semantics = [#tpu.dimension_semantics<core_parallel>, #tpu.dimension_semantics<subcore_parallel>], iteration_bounds = array<i64: 2, 16>, scalar_prefetch = 0 : i64, scratch_operands = 9 : i64, tpu.core_type = #tpu.core_type<sc_vector_subcore>, window_params = [{transform_indices = #map}, {transform_indices = #map1}, {transform_indices = #map2}, {transform_indices = #map}]} {
    %empty_ref3A = memref.alloca() : memref<16xf32, #tpu.memory_space<vmem>>
    "tpu.region"() ({
      %run_scoped3A = tpu.sem_alloc : memref<!tpu.dma_semaphore, #tpu.memory_space<semaphore_mem>>
      %dma_start3A_57 = arith.constant 0 : i32
      %dma_start3A_58 = tpu.memref_slice %empty_ref3A[%dma_start3A_57] : memref<16xf32, #tpu.memory_space<vmem>> -> memref<1xf32, #tpu.memory_space<vmem>>
      %dma_start3A_59 = arith.constant 0 : i32
      %dma_start3A_60 = tpu.memref_slice %empty_ref3A[%dma_start3A_59] : memref<16xf32, #tpu.memory_space<vmem>> -> memref<1xf32, #tpu.memory_space<vmem>>
      tpu.enqueue_dma source(%arg4 : memref<1xf32, #tpu.memory_space<hbm>>) target(%dma_start3A_60 : memref<1xf32, #tpu.memory_space<vmem>>) target_semaphore(%run_scoped3A : memref<!tpu.dma_semaphore, #tpu.memory_space<semaphore_mem>>)
      %dma_wait3A_61 = arith.constant 0 : i32
      %dma_wait3A_62 = tpu.memref_slice %empty_ref3A[%dma_wait3A_61] : memref<16xf32, #tpu.memory_space<vmem>> -> memref<1xf32, #tpu.memory_space<vmem>>
      %dma_wait3A_63 = arith.constant 0 : i32
      %dma_wait3A_64 = tpu.memref_slice %empty_ref3A[%dma_wait3A_63] : memref<16xf32, #tpu.memory_space<vmem>> -> memref<1xf32, #tpu.memory_space<vmem>>
      tpu.wait_dma2 semaphore(%run_scoped3A : memref<!tpu.dma_semaphore, #tpu.memory_space<semaphore_mem>>) src(%arg4 : memref<1xf32, #tpu.memory_space<hbm>>) dst(%dma_wait3A_64 : memref<1xf32, #tpu.memory_space<vmem>>)
      tpu.yield
    }) : () -> ()
    %get3A = arith.constant 0 : index
    %get3A_0 = tpu.vector_load %empty_ref3A[%get3A] {strides = array<i32>} : memref<16xf32, #tpu.memory_space<vmem>>, vector<16xf32>,
    %get3A_1 = vector.shape_cast %get3A_0 : vector<16xf32> to vector<16xf32>
    %slice3A = vector.extract_strided_slice %get3A_1 {offsets = [0], sizes = [1], strides = [1]} : vector<16xf32> to vector<1xf32>
    %squeeze3A = vector.extract %slice3A[0] : f32 from vector<1xf32>
    %mul3A = arith.constant 2 : i32
    %mul3A_2 = arith.muli %arg1, %mul3A : i32
    %add3A = arith.addi %mul3A_2, %arg0 : i32
    %mul3A_3 = arith.constant 25600 : i32
    %mul3A_4 = arith.muli %add3A, %mul3A_3 : i32
    "tpu.region"() ({
      %run_scoped3A = tpu.sem_alloc : memref<!tpu.dma_semaphore, #tpu.memory_space<semaphore_mem>>
      %dma_start3A_57 = arith.constant 0 : i32
      %dma_start3A_58 = arith.constant 0 : i32
      %dma_start3A_59 = tpu.memref_slice %arg3[%add3A, %dma_start3A_57, %dma_start3A_58] : memref<32x200x128xi32, #tpu.memory_space<hbm>> -> memref<1x200x128xi32, #tpu.memory_space<hbm>>
      %dma_start3A_60 = tpu.memref_squeeze %dma_start3A_59 : memref<1x200x128xi32, #tpu.memory_space<hbm>> -> memref<200x128xi32, #tpu.memory_space<hbm>>
      %dma_start3A_61 = arith.constant 0 : i32
      %dma_start3A_62 = arith.constant 0 : i32
      %dma_start3A_63 = tpu.memref_slice %arg3[%add3A, %dma_start3A_61, %dma_start3A_62] : memref<32x200x128xi32, #tpu.memory_space<hbm>> -> memref<1x200x128xi32, #tpu.memory_space<hbm>>
      %dma_start3A_64 = tpu.memref_squeeze %dma_start3A_63 : memref<1x200x128xi32, #tpu.memory_space<hbm>> -> memref<200x128xi32, #tpu.memory_space<hbm>>
      tpu.enqueue_dma source(%dma_start3A_64 : memref<200x128xi32, #tpu.memory_space<hbm>>) target(%arg6 : memref<200x128xi32, #tpu.memory_space<vmem>>) target_semaphore(%run_scoped3A : memref<!tpu.dma_semaphore, #tpu.memory_space<semaphore_mem>>)
      %dma_wait3A_65 = arith.constant 0 : i32
      %dma_wait3A_66 = arith.constant 0 : i32
      %dma_wait3A_67 = tpu.memref_slice %arg3[%add3A, %dma_wait3A_65, %dma_wait3A_66] : memref<32x200x128xi32, #tpu.memory_space<hbm>> -> memref<1x200x128xi32, #tpu.memory_space<hbm>>
      %dma_wait3A_68 = tpu.memref_squeeze %dma_wait3A_67 : memref<1x200x128xi32, #tpu.memory_space<hbm>> -> memref<200x128xi32, #tpu.memory_space<hbm>>
      %dma_wait3A_69 = arith.constant 0 : i32
      %dma_wait3A_70 = arith.constant 0 : i32
      %dma_wait3A_71 = tpu.memref_slice %arg3[%add3A, %dma_wait3A_69, %dma_wait3A_70] : memref<32x200x128xi32, #tpu.memory_space<hbm>> -> memref<1x200x128xi32, #tpu.memory_space<hbm>>
      %dma_wait3A_72 = tpu.memref_squeeze %dma_wait3A_71 : memref<1x200x128xi32, #tpu.memory_space<hbm>> -> memref<200x128xi32, #tpu.memory_space<hbm>>
      tpu.wait_dma2 semaphore(%run_scoped3A : memref<!tpu.dma_semaphore, #tpu.memory_space<semaphore_mem>>) src(%dma_wait3A_72 : memref<200x128xi32, #tpu.memory_space<hbm>>) dst(%arg6 : memref<200x128xi32, #tpu.memory_space<vmem>>)
      tpu.yield
    }) : () -> ()
    %dma_start3A = arith.constant 0 : i32
    %dma_start3A_5 = arith.constant 0 : i32
    %dma_start3A_6 = arith.constant 0 : i32
    %dma_start3A_7 = tpu.memref_slice %arg7[%dma_start3A_5, %dma_start3A_6] : memref<256x128xf32, #tpu.memory_space<vmem>> -> memref<128x128xf32, #tpu.memory_space<vmem>>
    %dma_start3A_8 = arith.constant 0 : i32
    %dma_start3A_9 = tpu.memref_slice %arg6[%dma_start3A, %dma_start3A_8] : memref<200x128xi32, #tpu.memory_space<vmem>> -> memref<1x128xi32, #tpu.memory_space<vmem>>
    %dma_start3A_10 = tpu.memref_squeeze %dma_start3A_9 : memref<1x128xi32, #tpu.memory_space<vmem>> -> memref<128xi32, #tpu.memory_space<vmem>>
    %dma_start3A_11 = arith.constant 0 : i32
    %dma_start3A_12 = arith.constant 0 : i32
    %dma_start3A_13 = tpu.memref_slice %arg2[%dma_start3A_11, %dma_start3A_12] : memref<100000x128xf32, #tpu.memory_space<hbm>> -> memref<100000x128xf32, #tpu.memory_space<hbm>>
    tpu.enqueue_indirect_dma source(%dma_start3A_13 : memref<100000x128xf32, #tpu.memory_space<hbm>>) target(%dma_start3A_7 : memref<128x128xf32, #tpu.memory_space<vmem>>) offsets(%dma_start3A_10 : memref<128xi32, #tpu.memory_space<vmem>>) semaphore(%arg9 : memref<!tpu.dma_semaphore, #tpu.memory_space<semaphore_mem>>)
    %dma_start3A_14 = arith.constant 1 : i32
    %dma_start3A_15 = arith.constant 128 : i32
    %dma_start3A_16 = arith.constant 0 : i32
    %dma_start3A_17 = tpu.memref_slice %arg7[%dma_start3A_15, %dma_start3A_16] : memref<256x128xf32, #tpu.memory_space<vmem>> -> memref<128x128xf32, #tpu.memory_space<vmem>>
    %dma_start3A_18 = arith.constant 0 : i32
    %dma_start3A_19 = tpu.memref_slice %arg6[%dma_start3A_14, %dma_start3A_18] : memref<200x128xi32, #tpu.memory_space<vmem>> -> memref<1x128xi32, #tpu.memory_space<vmem>>
    %dma_start3A_20 = tpu.memref_squeeze %dma_start3A_19 : memref<1x128xi32, #tpu.memory_space<vmem>> -> memref<128xi32, #tpu.memory_space<vmem>>
    %dma_start3A_21 = arith.constant 0 : i32
    %dma_start3A_22 = arith.constant 0 : i32
    %dma_start3A_23 = tpu.memref_slice %arg2[%dma_start3A_21, %dma_start3A_22] : memref<100000x128xf32, #tpu.memory_space<hbm>> -> memref<100000x128xf32, #tpu.memory_space<hbm>>
    tpu.enqueue_indirect_dma source(%dma_start3A_23 : memref<100000x128xf32, #tpu.memory_space<hbm>>) target(%dma_start3A_17 : memref<128x128xf32, #tpu.memory_space<vmem>>) offsets(%dma_start3A_20 : memref<128xi32, #tpu.memory_space<vmem>>) semaphore(%arg10 : memref<!tpu.dma_semaphore, #tpu.memory_space<semaphore_mem>>)
    %dma_start3A_24 = arith.constant 2 : i32
    %dma_start3A_25 = arith.constant 0 : i32
    %dma_start3A_26 = arith.constant 0 : i32
    %dma_start3A_27 = tpu.memref_slice %arg8[%dma_start3A_25, %dma_start3A_26] : memref<256x128xf32, #tpu.memory_space<vmem>> -> memref<128x128xf32, #tpu.memory_space<vmem>>
    %dma_start3A_28 = arith.constant 0 : i32
    %dma_start3A_29 = tpu.memref_slice %arg6[%dma_start3A_24, %dma_start3A_28] : memref<200x128xi32, #tpu.memory_space<vmem>> -> memref<1x128xi32, #tpu.memory_space<vmem>>
    %dma_start3A_30 = tpu.memref_squeeze %dma_start3A_29 : memref<1x128xi32, #tpu.memory_space<vmem>> -> memref<128xi32, #tpu.memory_space<vmem>>
    %dma_start3A_31 = arith.constant 0 : i32
    %dma_start3A_32 = arith.constant 0 : i32
    %dma_start3A_33 = tpu.memref_slice %arg2[%dma_start3A_31, %dma_start3A_32] : memref<100000x128xf32, #tpu.memory_space<hbm>> -> memref<100000x128xf32, #tpu.memory_space<hbm>>
    tpu.enqueue_indirect_dma source(%dma_start3A_33 : memref<100000x128xf32, #tpu.memory_space<hbm>>) target(%dma_start3A_27 : memref<128x128xf32, #tpu.memory_space<vmem>>) offsets(%dma_start3A_30 : memref<128xi32, #tpu.memory_space<vmem>>) semaphore(%arg11 : memref<!tpu.dma_semaphore, #tpu.memory_space<semaphore_mem>>)
    %dma_start3A_34 = arith.constant 3 : i32
    %dma_start3A_35 = arith.constant 128 : i32
    %dma_start3A_36 = arith.constant 0 : i32
    %dma_start3A_37 = tpu.memref_slice %arg8[%dma_start3A_35, %dma_start3A_36] : memref<256x128xf32, #tpu.memory_space<vmem>> -> memref<128x128xf32, #tpu.memory_space<vmem>>
    %dma_start3A_38 = arith.constant 0 : i32
    %dma_start3A_39 = tpu.memref_slice %arg6[%dma_start3A_34, %dma_start3A_38] : memref<200x128xi32, #tpu.memory_space<vmem>> -> memref<1x128xi32, #tpu.memory_space<vmem>>
    %dma_start3A_40 = tpu.memref_squeeze %dma_start3A_39 : memref<1x128xi32, #tpu.memory_space<vmem>> -> memref<128xi32, #tpu.memory_space<vmem>>
    %dma_start3A_41 = arith.constant 0 : i32
    %dma_start3A_42 = arith.constant 0 : i32
    %dma_start3A_43 = tpu.memref_slice %arg2[%dma_start3A_41, %dma_start3A_42] : memref<100000x128xf32, #tpu.memory_space<hbm>> -> memref<100000x128xf32, #tpu.memory_space<hbm>>
    tpu.enqueue_indirect_dma source(%dma_start3A_43 : memref<100000x128xf32, #tpu.memory_space<hbm>>) target(%dma_start3A_37 : memref<128x128xf32, #tpu.memory_space<vmem>>) offsets(%dma_start3A_40 : memref<128xi32, #tpu.memory_space<vmem>>) semaphore(%arg12 : memref<!tpu.dma_semaphore, #tpu.memory_space<semaphore_mem>>)
    %scan3A = arith.constant 0 : i32
    %scan3A_44 = arith.constant 0 : i32
    %scan3A_45 = arith.constant 50 : i32
    %scan3A_46 = arith.addi %scan3A_44, %scan3A_45 : i32
    %scan3A_47 = arith.constant 1 : i32
    %scan3A_48 = scf.for %scan3A_57 = %scan3A_44 to %scan3A_46 step %scan3A_47 iter_args(%scan3A_58 = %scan3A) -> (i32)  : i32 {
      %mul3A_59 = arith.constant 2 : i32
      %mul3A_60 = arith.muli %scan3A_57, %mul3A_59 : i32
      %dma_wait3A_61 = arith.constant 0 : i32
      %dma_wait3A_62 = arith.constant 0 : i32
      %dma_wait3A_63 = arith.constant 0 : i32
      %dma_wait3A_64 = tpu.memref_slice %arg7[%dma_wait3A_62, %dma_wait3A_63] : memref<256x128xf32, #tpu.memory_space<vmem>> -> memref<128x128xf32, #tpu.memory_space<vmem>>
      %dma_wait3A_65 = arith.constant 0 : i32
      %dma_wait3A_66 = tpu.memref_slice %arg6[%dma_wait3A_61, %dma_wait3A_65] : memref<200x128xi32, #tpu.memory_space<vmem>> -> memref<1x128xi32, #tpu.memory_space<vmem>>
      %dma_wait3A_67 = tpu.memref_squeeze %dma_wait3A_66 : memref<1x128xi32, #tpu.memory_space<vmem>> -> memref<128xi32, #tpu.memory_space<vmem>>
      %dma_wait3A_68 = arith.constant 0 : i32
      %dma_wait3A_69 = arith.constant 0 : i32
      %dma_wait3A_70 = tpu.memref_slice %arg2[%dma_wait3A_68, %dma_wait3A_69] : memref<100000x128xf32, #tpu.memory_space<hbm>> -> memref<100000x128xf32, #tpu.memory_space<hbm>>
      tpu.wait_indirect_dma semaphore(%arg9 : memref<!tpu.dma_semaphore, #tpu.memory_space<semaphore_mem>>) src(%dma_wait3A_70 : memref<100000x128xf32, #tpu.memory_space<hbm>>) dst(%dma_wait3A_64 : memref<128x128xf32, #tpu.memory_space<vmem>>)
      %dma_wait3A_71 = arith.constant 0 : i32
      %dma_wait3A_72 = arith.constant 128 : i32
      %dma_wait3A_73 = arith.constant 0 : i32
      %dma_wait3A_74 = tpu.memref_slice %arg7[%dma_wait3A_72, %dma_wait3A_73] : memref<256x128xf32, #tpu.memory_space<vmem>> -> memref<128x128xf32, #tpu.memory_space<vmem>>
      %dma_wait3A_75 = arith.constant 0 : i32
      %dma_wait3A_76 = tpu.memref_slice %arg6[%dma_wait3A_71, %dma_wait3A_75] : memref<200x128xi32, #tpu.memory_space<vmem>> -> memref<1x128xi32, #tpu.memory_space<vmem>>
      %dma_wait3A_77 = tpu.memref_squeeze %dma_wait3A_76 : memref<1x128xi32, #tpu.memory_space<vmem>> -> memref<128xi32, #tpu.memory_space<vmem>>
      %dma_wait3A_78 = arith.constant 0 : i32
      %dma_wait3A_79 = arith.constant 0 : i32
      %dma_wait3A_80 = tpu.memref_slice %arg2[%dma_wait3A_78, %dma_wait3A_79] : memref<100000x128xf32, #tpu.memory_space<hbm>> -> memref<100000x128xf32, #tpu.memory_space<hbm>>
      tpu.wait_indirect_dma semaphore(%arg10 : memref<!tpu.dma_semaphore, #tpu.memory_space<semaphore_mem>>) src(%dma_wait3A_80 : memref<100000x128xf32, #tpu.memory_space<hbm>>) dst(%dma_wait3A_74 : memref<128x128xf32, #tpu.memory_space<vmem>>)
      %scan3A_81 = arith.constant 0 : i32
      %scan3A_82 = arith.constant 0 : i32
      %scan3A_83 = arith.constant 256 : i32
      %scan3A_84 = arith.addi %scan3A_82, %scan3A_83 : i32
      %scan3A_85 = arith.constant 1 : i32
      %scan3A_86 = scf.for %scan3A_149 = %scan3A_82 to %scan3A_84 step %scan3A_85 iter_args(%scan3A_150 = %scan3A_81) -> (i32)  : i32 {
        %get3A_151 = arith.index_cast %scan3A_149 : i32 to index
        %get3A_152 = arith.constant 0 : index
        %get3A_153 = tpu.vector_load %arg7[%get3A_151, %get3A_152] {strides = array<i32>} : memref<256x128xf32, #tpu.memory_space<vmem>>, vector<1x16xf32>,
        %get3A_154 = vector.shape_cast %get3A_153 : vector<1x16xf32> to vector<16xf32>
        %mul3A_155 = vector.broadcast %squeeze3A : f32 to vector<16xf32>
        %mul3A_156 = arith.mulf %get3A_154, %mul3A_155 : vector<16xf32>
        %swap3A = arith.index_cast %scan3A_149 : i32 to index
        %swap3A_157 = arith.constant 0 : index
        %swap3A_158 = tpu.vector_load %arg7[%swap3A, %swap3A_157] {strides = array<i32>} : memref<256x128xf32, #tpu.memory_space<vmem>>, vector<1x16xf32>,
        %swap3A_159 = vector.shape_cast %swap3A_158 : vector<1x16xf32> to vector<16xf32>
        %swap3A_160 = vector.shape_cast %mul3A_156 : vector<16xf32> to vector<1x16xf32>
        tpu.vector_store %arg7[%swap3A, %swap3A_157], %swap3A_160 {strides = array<i32>} : memref<256x128xf32, #tpu.memory_space<vmem>>, vector<1x16xf32>,
        %get3A_161 = arith.index_cast %scan3A_149 : i32 to index
        %get3A_162 = arith.constant 16 : index
        %get3A_163 = tpu.vector_load %arg7[%get3A_161, %get3A_162] {strides = array<i32>} : memref<256x128xf32, #tpu.memory_space<vmem>>, vector<1x16xf32>,
        %get3A_164 = vector.shape_cast %get3A_163 : vector<1x16xf32> to vector<16xf32>
        %mul3A_165 = vector.broadcast %squeeze3A : f32 to vector<16xf32>
        %mul3A_166 = arith.mulf %get3A_164, %mul3A_165 : vector<16xf32>
        %swap3A_167 = arith.index_cast %scan3A_149 : i32 to index
        %swap3A_168 = arith.constant 16 : index
        %swap3A_169 = tpu.vector_load %arg7[%swap3A_167, %swap3A_168] {strides = array<i32>} : memref<256x128xf32, #tpu.memory_space<vmem>>, vector<1x16xf32>,
        %swap3A_170 = vector.shape_cast %swap3A_169 : vector<1x16xf32> to vector<16xf32>
        %swap3A_171 = vector.shape_cast %mul3A_166 : vector<16xf32> to vector<1x16xf32>
        tpu.vector_store %arg7[%swap3A_167, %swap3A_168], %swap3A_171 {strides = array<i32>} : memref<256x128xf32, #tpu.memory_space<vmem>>, vector<1x16xf32>,
        %get3A_172 = arith.index_cast %scan3A_149 : i32 to index
        %get3A_173 = arith.constant 32 : index
        %get3A_174 = tpu.vector_load %arg7[%get3A_172, %get3A_173] {strides = array<i32>} : memref<256x128xf32, #tpu.memory_space<vmem>>, vector<1x16xf32>,
        %get3A_175 = vector.shape_cast %get3A_174 : vector<1x16xf32> to vector<16xf32>
        %mul3A_176 = vector.broadcast %squeeze3A : f32 to vector<16xf32>
        %mul3A_177 = arith.mulf %get3A_175, %mul3A_176 : vector<16xf32>
        %swap3A_178 = arith.index_cast %scan3A_149 : i32 to index
        %swap3A_179 = arith.constant 32 : index
        %swap3A_180 = tpu.vector_load %arg7[%swap3A_178, %swap3A_179] {strides = array<i32>} : memref<256x128xf32, #tpu.memory_space<vmem>>, vector<1x16xf32>,
        %swap3A_181 = vector.shape_cast %swap3A_180 : vector<1x16xf32> to vector<16xf32>
        %swap3A_182 = vector.shape_cast %mul3A_177 : vector<16xf32> to vector<1x16xf32>
        tpu.vector_store %arg7[%swap3A_178, %swap3A_179], %swap3A_182 {strides = array<i32>} : memref<256x128xf32, #tpu.memory_space<vmem>>, vector<1x16xf32>,
        %get3A_183 = arith.index_cast %scan3A_149 : i32 to index
        %get3A_184 = arith.constant 48 : index
        %get3A_185 = tpu.vector_load %arg7[%get3A_183, %get3A_184] {strides = array<i32>} : memref<256x128xf32, #tpu.memory_space<vmem>>, vector<1x16xf32>,
        %get3A_186 = vector.shape_cast %get3A_185 : vector<1x16xf32> to vector<16xf32>
        %mul3A_187 = vector.broadcast %squeeze3A : f32 to vector<16xf32>
        %mul3A_188 = arith.mulf %get3A_186, %mul3A_187 : vector<16xf32>
        %swap3A_189 = arith.index_cast %scan3A_149 : i32 to index
        %swap3A_190 = arith.constant 48 : index
        %swap3A_191 = tpu.vector_load %arg7[%swap3A_189, %swap3A_190] {strides = array<i32>} : memref<256x128xf32, #tpu.memory_space<vmem>>, vector<1x16xf32>,
        %swap3A_192 = vector.shape_cast %swap3A_191 : vector<1x16xf32> to vector<16xf32>
        %swap3A_193 = vector.shape_cast %mul3A_188 : vector<16xf32> to vector<1x16xf32>
        tpu.vector_store %arg7[%swap3A_189, %swap3A_190], %swap3A_193 {strides = array<i32>} : memref<256x128xf32, #tpu.memory_space<vmem>>, vector<1x16xf32>,
        %get3A_194 = arith.index_cast %scan3A_149 : i32 to index
        %get3A_195 = arith.constant 64 : index
        %get3A_196 = tpu.vector_load %arg7[%get3A_194, %get3A_195] {strides = array<i32>} : memref<256x128xf32, #tpu.memory_space<vmem>>, vector<1x16xf32>,
        %get3A_197 = vector.shape_cast %get3A_196 : vector<1x16xf32> to vector<16xf32>
        %mul3A_198 = vector.broadcast %squeeze3A : f32 to vector<16xf32>
        %mul3A_199 = arith.mulf %get3A_197, %mul3A_198 : vector<16xf32>
        %swap3A_200 = arith.index_cast %scan3A_149 : i32 to index
        %swap3A_201 = arith.constant 64 : index
        %swap3A_202 = tpu.vector_load %arg7[%swap3A_200, %swap3A_201] {strides = array<i32>} : memref<256x128xf32, #tpu.memory_space<vmem>>, vector<1x16xf32>,
        %swap3A_203 = vector.shape_cast %swap3A_202 : vector<1x16xf32> to vector<16xf32>
        %swap3A_204 = vector.shape_cast %mul3A_199 : vector<16xf32> to vector<1x16xf32>
        tpu.vector_store %arg7[%swap3A_200, %swap3A_201], %swap3A_204 {strides = array<i32>} : memref<256x128xf32, #tpu.memory_space<vmem>>, vector<1x16xf32>,
        %get3A_205 = arith.index_cast %scan3A_149 : i32 to index
        %get3A_206 = arith.constant 80 : index
        %get3A_207 = tpu.vector_load %arg7[%get3A_205, %get3A_206] {strides = array<i32>} : memref<256x128xf32, #tpu.memory_space<vmem>>, vector<1x16xf32>,
        %get3A_208 = vector.shape_cast %get3A_207 : vector<1x16xf32> to vector<16xf32>
        %mul3A_209 = vector.broadcast %squeeze3A : f32 to vector<16xf32>
        %mul3A_210 = arith.mulf %get3A_208, %mul3A_209 : vector<16xf32>
        %swap3A_211 = arith.index_cast %scan3A_149 : i32 to index
        %swap3A_212 = arith.constant 80 : index
        %swap3A_213 = tpu.vector_load %arg7[%swap3A_211, %swap3A_212] {strides = array<i32>} : memref<256x128xf32, #tpu.memory_space<vmem>>, vector<1x16xf32>,
        %swap3A_214 = vector.shape_cast %swap3A_213 : vector<1x16xf32> to vector<16xf32>
        %swap3A_215 = vector.shape_cast %mul3A_210 : vector<16xf32> to vector<1x16xf32>
        tpu.vector_store %arg7[%swap3A_211, %swap3A_212], %swap3A_215 {strides = array<i32>} : memref<256x128xf32, #tpu.memory_space<vmem>>, vector<1x16xf32>,
        %get3A_216 = arith.index_cast %scan3A_149 : i32 to index
        %get3A_217 = arith.constant 96 : index
        %get3A_218 = tpu.vector_load %arg7[%get3A_216, %get3A_217] {strides = array<i32>} : memref<256x128xf32, #tpu.memory_space<vmem>>, vector<1x16xf32>,
        %get3A_219 = vector.shape_cast %get3A_218 : vector<1x16xf32> to vector<16xf32>
        %mul3A_220 = vector.broadcast %squeeze3A : f32 to vector<16xf32>
        %mul3A_221 = arith.mulf %get3A_219, %mul3A_220 : vector<16xf32>
        %swap3A_222 = arith.index_cast %scan3A_149 : i32 to index
        %swap3A_223 = arith.constant 96 : index
        %swap3A_224 = tpu.vector_load %arg7[%swap3A_222, %swap3A_223] {strides = array<i32>} : memref<256x128xf32, #tpu.memory_space<vmem>>, vector<1x16xf32>,
        %swap3A_225 = vector.shape_cast %swap3A_224 : vector<1x16xf32> to vector<16xf32>
        %swap3A_226 = vector.shape_cast %mul3A_221 : vector<16xf32> to vector<1x16xf32>
        tpu.vector_store %arg7[%swap3A_222, %swap3A_223], %swap3A_226 {strides = array<i32>} : memref<256x128xf32, #tpu.memory_space<vmem>>, vector<1x16xf32>,
        %get3A_227 = arith.index_cast %scan3A_149 : i32 to index
        %get3A_228 = arith.constant 112 : index
        %get3A_229 = tpu.vector_load %arg7[%get3A_227, %get3A_228] {strides = array<i32>} : memref<256x128xf32, #tpu.memory_space<vmem>>, vector<1x16xf32>,
        %get3A_230 = vector.shape_cast %get3A_229 : vector<1x16xf32> to vector<16xf32>
        %mul3A_231 = vector.broadcast %squeeze3A : f32 to vector<16xf32>
        %mul3A_232 = arith.mulf %get3A_230, %mul3A_231 : vector<16xf32>
        %swap3A_233 = arith.index_cast %scan3A_149 : i32 to index
        %swap3A_234 = arith.constant 112 : index
        %swap3A_235 = tpu.vector_load %arg7[%swap3A_233, %swap3A_234] {strides = array<i32>} : memref<256x128xf32, #tpu.memory_space<vmem>>, vector<1x16xf32>,
        %swap3A_236 = vector.shape_cast %swap3A_235 : vector<1x16xf32> to vector<16xf32>
        %swap3A_237 = vector.shape_cast %mul3A_232 : vector<16xf32> to vector<1x16xf32>
        tpu.vector_store %arg7[%swap3A_233, %swap3A_234], %swap3A_237 {strides = array<i32>} : memref<256x128xf32, #tpu.memory_space<vmem>>, vector<1x16xf32>,
        %scan3A_238 = arith.constant 0 : i32
        scf.yield %scan3A_238 : i32
      }
      %scan3A_87 = arith.constant 256 : i32
      %add3A_88 = arith.constant 0 : i32
      %add3A_89 = arith.addi %mul3A_60, %add3A_88 : i32
      %mul3A_90 = arith.constant 256 : i32
      %mul3A_91 = arith.muli %add3A_89, %mul3A_90 : i32
      %add3A_92 = arith.addi %mul3A_4, %mul3A_91 : i32
      %dma_start3A_93 = arith.constant 0 : i32
      %dma_start3A_94 = tpu.memref_slice %arg5[%add3A_92, %dma_start3A_93] : memref<819200x128xf32, #tpu.memory_space<hbm>> -> memref<256x128xf32, #tpu.memory_space<hbm>>
      %dma_start3A_95 = arith.constant 0 : i32
      %dma_start3A_96 = tpu.memref_slice %arg5[%add3A_92, %dma_start3A_95] : memref<819200x128xf32, #tpu.memory_space<hbm>> -> memref<256x128xf32, #tpu.memory_space<hbm>>
      tpu.enqueue_dma source(%arg7 : memref<256x128xf32, #tpu.memory_space<vmem>>) target(%dma_start3A_96 : memref<256x128xf32, #tpu.memory_space<hbm>>) target_semaphore(%arg13 : memref<!tpu.dma_semaphore, #tpu.memory_space<semaphore_mem>>)
      %dma_wait3A_97 = arith.constant 0 : i32
      %dma_wait3A_98 = arith.constant 0 : i32
      %dma_wait3A_99 = arith.constant 0 : i32
      %dma_wait3A_100 = tpu.memref_slice %arg8[%dma_wait3A_98, %dma_wait3A_99] : memref<256x128xf32, #tpu.memory_space<vmem>> -> memref<128x128xf32, #tpu.memory_space<vmem>>
      %dma_wait3A_101 = arith.constant 0 : i32
      %dma_wait3A_102 = tpu.memref_slice %arg6[%dma_wait3A_97, %dma_wait3A_101] : memref<200x128xi32, #tpu.memory_space<vmem>> -> memref<1x128xi32, #tpu.memory_space<vmem>>
      %dma_wait3A_103 = tpu.memref_squeeze %dma_wait3A_102 : memref<1x128xi32, #tpu.memory_space<vmem>> -> memref<128xi32, #tpu.memory_space<vmem>>
      %dma_wait3A_104 = arith.constant 0 : i32
      %dma_wait3A_105 = arith.constant 0 : i32
      %dma_wait3A_106 = tpu.memref_slice %arg2[%dma_wait3A_104, %dma_wait3A_105] : memref<100000x128xf32, #tpu.memory_space<hbm>> -> memref<100000x128xf32, #tpu.memory_space<hbm>>
      tpu.wait_indirect_dma semaphore(%arg11 : memref<!tpu.dma_semaphore, #tpu.memory_space<semaphore_mem>>) src(%dma_wait3A_106 : memref<100000x128xf32, #tpu.memory_space<hbm>>) dst(%dma_wait3A_100 : memref<128x128xf32, #tpu.memory_space<vmem>>)
      %dma_wait3A_107 = arith.constant 0 : i32
      %dma_wait3A_108 = arith.constant 128 : i32
      %dma_wait3A_109 = arith.constant 0 : i32
      %dma_wait3A_110 = tpu.memref_slice %arg8[%dma_wait3A_108, %dma_wait3A_109] : memref<256x128xf32, #tpu.memory_space<vmem>> -> memref<128x128xf32, #tpu.memory_space<vmem>>
      %dma_wait3A_111 = arith.constant 0 : i32
      %dma_wait3A_112 = tpu.memref_slice %arg6[%dma_wait3A_107, %dma_wait3A_111] : memref<200x128xi32, #tpu.memory_space<vmem>> -> memref<1x128xi32, #tpu.memory_space<vmem>>
      %dma_wait3A_113 = tpu.memref_squeeze %dma_wait3A_112 : memref<1x128xi32, #tpu.memory_space<vmem>> -> memref<128xi32, #tpu.memory_space<vmem>>
      %dma_wait3A_114 = arith.constant 0 : i32
      %dma_wait3A_115 = arith.constant 0 : i32
      %dma_wait3A_116 = tpu.memref_slice %arg2[%dma_wait3A_114, %dma_wait3A_115] : memref<100000x128xf32, #tpu.memory_space<hbm>> -> memref<100000x128xf32, #tpu.memory_space<hbm>>
      tpu.wait_indirect_dma semaphore(%arg12 : memref<!tpu.dma_semaphore, #tpu.memory_space<semaphore_mem>>) src(%dma_wait3A_116 : memref<100000x128xf32, #tpu.memory_space<hbm>>) dst(%dma_wait3A_110 : memref<128x128xf32, #tpu.memory_space<vmem>>)
      %scan3A_117 = arith.constant 0 : i32
      %scan3A_118 = arith.constant 0 : i32
      %scan3A_119 = arith.constant 256 : i32
      %scan3A_120 = arith.addi %scan3A_118, %scan3A_119 : i32
      %scan3A_121 = arith.constant 1 : i32
      %scan3A_122 = scf.for %scan3A_149 = %scan3A_118 to %scan3A_120 step %scan3A_121 iter_args(%scan3A_150 = %scan3A_117) -> (i32)  : i32 {
        %get3A_151 = arith.index_cast %scan3A_149 : i32 to index
        %get3A_152 = arith.constant 0 : index
        %get3A_153 = tpu.vector_load %arg8[%get3A_151, %get3A_152] {strides = array<i32>} : memref<256x128xf32, #tpu.memory_space<vmem>>, vector<1x16xf32>,
        %get3A_154 = vector.shape_cast %get3A_153 : vector<1x16xf32> to vector<16xf32>
        %mul3A_155 = vector.broadcast %squeeze3A : f32 to vector<16xf32>
        %mul3A_156 = arith.mulf %get3A_154, %mul3A_155 : vector<16xf32>
        %swap3A = arith.index_cast %scan3A_149 : i32 to index
        %swap3A_157 = arith.constant 0 : index
        %swap3A_158 = tpu.vector_load %arg8[%swap3A, %swap3A_157] {strides = array<i32>} : memref<256x128xf32, #tpu.memory_space<vmem>>, vector<1x16xf32>,
        %swap3A_159 = vector.shape_cast %swap3A_158 : vector<1x16xf32> to vector<16xf32>
        %swap3A_160 = vector.shape_cast %mul3A_156 : vector<16xf32> to vector<1x16xf32>
        tpu.vector_store %arg8[%swap3A, %swap3A_157], %swap3A_160 {strides = array<i32>} : memref<256x128xf32, #tpu.memory_space<vmem>>, vector<1x16xf32>,
        %get3A_161 = arith.index_cast %scan3A_149 : i32 to index
        %get3A_162 = arith.constant 16 : index
        %get3A_163 = tpu.vector_load %arg8[%get3A_161, %get3A_162] {strides = array<i32>} : memref<256x128xf32, #tpu.memory_space<vmem>>, vector<1x16xf32>,
        %get3A_164 = vector.shape_cast %get3A_163 : vector<1x16xf32> to vector<16xf32>
        %mul3A_165 = vector.broadcast %squeeze3A : f32 to vector<16xf32>
        %mul3A_166 = arith.mulf %get3A_164, %mul3A_165 : vector<16xf32>
        %swap3A_167 = arith.index_cast %scan3A_149 : i32 to index
        %swap3A_168 = arith.constant 16 : index
        %swap3A_169 = tpu.vector_load %arg8[%swap3A_167, %swap3A_168] {strides = array<i32>} : memref<256x128xf32, #tpu.memory_space<vmem>>, vector<1x16xf32>,
        %swap3A_170 = vector.shape_cast %swap3A_169 : vector<1x16xf32> to vector<16xf32>
        %swap3A_171 = vector.shape_cast %mul3A_166 : vector<16xf32> to vector<1x16xf32>
        tpu.vector_store %arg8[%swap3A_167, %swap3A_168], %swap3A_171 {strides = array<i32>} : memref<256x128xf32, #tpu.memory_space<vmem>>, vector<1x16xf32>,
        %get3A_172 = arith.index_cast %scan3A_149 : i32 to index
        %get3A_173 = arith.constant 32 : index
        %get3A_174 = tpu.vector_load %arg8[%get3A_172, %get3A_173] {strides = array<i32>} : memref<256x128xf32, #tpu.memory_space<vmem>>, vector<1x16xf32>,
        %get3A_175 = vector.shape_cast %get3A_174 : vector<1x16xf32> to vector<16xf32>
        %mul3A_176 = vector.broadcast %squeeze3A : f32 to vector<16xf32>
        %mul3A_177 = arith.mulf %get3A_175, %mul3A_176 : vector<16xf32>
        %swap3A_178 = arith.index_cast %scan3A_149 : i32 to index
        %swap3A_179 = arith.constant 32 : index
        %swap3A_180 = tpu.vector_load %arg8[%swap3A_178, %swap3A_179] {strides = array<i32>} : memref<256x128xf32, #tpu.memory_space<vmem>>, vector<1x16xf32>,
        %swap3A_181 = vector.shape_cast %swap3A_180 : vector<1x16xf32> to vector<16xf32>
        %swap3A_182 = vector.shape_cast %mul3A_177 : vector<16xf32> to vector<1x16xf32>
        tpu.vector_store %arg8[%swap3A_178, %swap3A_179], %swap3A_182 {strides = array<i32>} : memref<256x128xf32, #tpu.memory_space<vmem>>, vector<1x16xf32>,
        %get3A_183 = arith.index_cast %scan3A_149 : i32 to index
        %get3A_184 = arith.constant 48 : index
        %get3A_185 = tpu.vector_load %arg8[%get3A_183, %get3A_184] {strides = array<i32>} : memref<256x128xf32, #tpu.memory_space<vmem>>, vector<1x16xf32>,
        %get3A_186 = vector.shape_cast %get3A_185 : vector<1x16xf32> to vector<16xf32>
        %mul3A_187 = vector.broadcast %squeeze3A : f32 to vector<16xf32>
        %mul3A_188 = arith.mulf %get3A_186, %mul3A_187 : vector<16xf32>
        %swap3A_189 = arith.index_cast %scan3A_149 : i32 to index
        %swap3A_190 = arith.constant 48 : index
        %swap3A_191 = tpu.vector_load %arg8[%swap3A_189, %swap3A_190] {strides = array<i32>} : memref<256x128xf32, #tpu.memory_space<vmem>>, vector<1x16xf32>,
        %swap3A_192 = vector.shape_cast %swap3A_191 : vector<1x16xf32> to vector<16xf32>
        %swap3A_193 = vector.shape_cast %mul3A_188 : vector<16xf32> to vector<1x16xf32>
        tpu.vector_store %arg8[%swap3A_189, %swap3A_190], %swap3A_193 {strides = array<i32>} : memref<256x128xf32, #tpu.memory_space<vmem>>, vector<1x16xf32>,
        %get3A_194 = arith.index_cast %scan3A_149 : i32 to index
        %get3A_195 = arith.constant 64 : index
        %get3A_196 = tpu.vector_load %arg8[%get3A_194, %get3A_195] {strides = array<i32>} : memref<256x128xf32, #tpu.memory_space<vmem>>, vector<1x16xf32>,
        %get3A_197 = vector.shape_cast %get3A_196 : vector<1x16xf32> to vector<16xf32>
        %mul3A_198 = vector.broadcast %squeeze3A : f32 to vector<16xf32>
        %mul3A_199 = arith.mulf %get3A_197, %mul3A_198 : vector<16xf32>
        %swap3A_200 = arith.index_cast %scan3A_149 : i32 to index
        %swap3A_201 = arith.constant 64 : index
        %swap3A_202 = tpu.vector_load %arg8[%swap3A_200, %swap3A_201] {strides = array<i32>} : memref<256x128xf32, #tpu.memory_space<vmem>>, vector<1x16xf32>,
        %swap3A_203 = vector.shape_cast %swap3A_202 : vector<1x16xf32> to vector<16xf32>
        %swap3A_204 = vector.shape_cast %mul3A_199 : vector<16xf32> to vector<1x16xf32>
        tpu.vector_store %arg8[%swap3A_200, %swap3A_201], %swap3A_204 {strides = array<i32>} : memref<256x128xf32, #tpu.memory_space<vmem>>, vector<1x16xf32>,
        %get3A_205 = arith.index_cast %scan3A_149 : i32 to index
        %get3A_206 = arith.constant 80 : index
        %get3A_207 = tpu.vector_load %arg8[%get3A_205, %get3A_206] {strides = array<i32>} : memref<256x128xf32, #tpu.memory_space<vmem>>, vector<1x16xf32>,
        %get3A_208 = vector.shape_cast %get3A_207 : vector<1x16xf32> to vector<16xf32>
        %mul3A_209 = vector.broadcast %squeeze3A : f32 to vector<16xf32>
        %mul3A_210 = arith.mulf %get3A_208, %mul3A_209 : vector<16xf32>
        %swap3A_211 = arith.index_cast %scan3A_149 : i32 to index
        %swap3A_212 = arith.constant 80 : index
        %swap3A_213 = tpu.vector_load %arg8[%swap3A_211, %swap3A_212] {strides = array<i32>} : memref<256x128xf32, #tpu.memory_space<vmem>>, vector<1x16xf32>,
        %swap3A_214 = vector.shape_cast %swap3A_213 : vector<1x16xf32> to vector<16xf32>
        %swap3A_215 = vector.shape_cast %mul3A_210 : vector<16xf32> to vector<1x16xf32>
        tpu.vector_store %arg8[%swap3A_211, %swap3A_212], %swap3A_215 {strides = array<i32>} : memref<256x128xf32, #tpu.memory_space<vmem>>, vector<1x16xf32>,
        %get3A_216 = arith.index_cast %scan3A_149 : i32 to index
        %get3A_217 = arith.constant 96 : index
        %get3A_218 = tpu.vector_load %arg8[%get3A_216, %get3A_217] {strides = array<i32>} : memref<256x128xf32, #tpu.memory_space<vmem>>, vector<1x16xf32>,
        %get3A_219 = vector.shape_cast %get3A_218 : vector<1x16xf32> to vector<16xf32>
        %mul3A_220 = vector.broadcast %squeeze3A : f32 to vector<16xf32>
        %mul3A_221 = arith.mulf %get3A_219, %mul3A_220 : vector<16xf32>
        %swap3A_222 = arith.index_cast %scan3A_149 : i32 to index
        %swap3A_223 = arith.constant 96 : index
        %swap3A_224 = tpu.vector_load %arg8[%swap3A_222, %swap3A_223] {strides = array<i32>} : memref<256x128xf32, #tpu.memory_space<vmem>>, vector<1x16xf32>,
        %swap3A_225 = vector.shape_cast %swap3A_224 : vector<1x16xf32> to vector<16xf32>
        %swap3A_226 = vector.shape_cast %mul3A_221 : vector<16xf32> to vector<1x16xf32>
        tpu.vector_store %arg8[%swap3A_222, %swap3A_223], %swap3A_226 {strides = array<i32>} : memref<256x128xf32, #tpu.memory_space<vmem>>, vector<1x16xf32>,
        %get3A_227 = arith.index_cast %scan3A_149 : i32 to index
        %get3A_228 = arith.constant 112 : index
        %get3A_229 = tpu.vector_load %arg8[%get3A_227, %get3A_228] {strides = array<i32>} : memref<256x128xf32, #tpu.memory_space<vmem>>, vector<1x16xf32>,
        %get3A_230 = vector.shape_cast %get3A_229 : vector<1x16xf32> to vector<16xf32>
        %mul3A_231 = vector.broadcast %squeeze3A : f32 to vector<16xf32>
        %mul3A_232 = arith.mulf %get3A_230, %mul3A_231 : vector<16xf32>
        %swap3A_233 = arith.index_cast %scan3A_149 : i32 to index
        %swap3A_234 = arith.constant 112 : index
        %swap3A_235 = tpu.vector_load %arg8[%swap3A_233, %swap3A_234] {strides = array<i32>} : memref<256x128xf32, #tpu.memory_space<vmem>>, vector<1x16xf32>,
        %swap3A_236 = vector.shape_cast %swap3A_235 : vector<1x16xf32> to vector<16xf32>
        %swap3A_237 = vector.shape_cast %mul3A_232 : vector<16xf32> to vector<1x16xf32>
        tpu.vector_store %arg8[%swap3A_233, %swap3A_234], %swap3A_237 {strides = array<i32>} : memref<256x128xf32, #tpu.memory_space<vmem>>, vector<1x16xf32>,
        %scan3A_238 = arith.constant 0 : i32
        scf.yield %scan3A_238 : i32
      }
      %scan3A_123 = arith.constant 256 : i32
      %add3A_124 = arith.constant 1 : i32
      %add3A_125 = arith.addi %mul3A_60, %add3A_124 : i32
      %mul3A_126 = arith.constant 256 : i32
      %mul3A_127 = arith.muli %add3A_125, %mul3A_126 : i32
      %add3A_128 = arith.addi %mul3A_4, %mul3A_127 : i32
      %dma_start3A_129 = arith.constant 0 : i32
      %dma_start3A_130 = tpu.memref_slice %arg5[%add3A_128, %dma_start3A_129] : memref<819200x128xf32, #tpu.memory_space<hbm>> -> memref<256x128xf32, #tpu.memory_space<hbm>>
      %dma_start3A_131 = arith.constant 0 : i32
      %dma_start3A_132 = tpu.memref_slice %arg5[%add3A_128, %dma_start3A_131] : memref<819200x128xf32, #tpu.memory_space<hbm>> -> memref<256x128xf32, #tpu.memory_space<hbm>>
      tpu.enqueue_dma source(%arg8 : memref<256x128xf32, #tpu.memory_space<vmem>>) target(%dma_start3A_132 : memref<256x128xf32, #tpu.memory_space<hbm>>) target_semaphore(%arg14 : memref<!tpu.dma_semaphore, #tpu.memory_space<semaphore_mem>>)
      %add3A_133 = arith.constant 2 : i32
      %add3A_134 = arith.addi %mul3A_60, %add3A_133 : i32
      %add3A_135 = arith.constant 0 : i32
      %add3A_136 = arith.addi %add3A_134, %add3A_135 : i32
      %lt3A = arith.constant 100 : i32
      %lt3A_137 = arith.cmpi slt, %add3A_136, %lt3A : i32
      %convert_element_type3A = arith.extui %lt3A_137 : i1 to i32
      %cond3A = arith.constant 0 : i32
      %cond3A_138 = arith.cmpi ne, %convert_element_type3A, %cond3A : i32
      scf.if %cond3A_138 {
        %dma_wait3A_149 = arith.constant 0 : i32
        %dma_wait3A_150 = tpu.memref_slice %arg5[%mul3A_4, %dma_wait3A_149] : memref<819200x128xf32, #tpu.memory_space<hbm>> -> memref<256x128xf32, #tpu.memory_space<hbm>>
        %dma_wait3A_151 = arith.constant 0 : i32
        %dma_wait3A_152 = tpu.memref_slice %arg5[%mul3A_4, %dma_wait3A_151] : memref<819200x128xf32, #tpu.memory_space<hbm>> -> memref<256x128xf32, #tpu.memory_space<hbm>>
        tpu.wait_dma2 semaphore(%arg13 : memref<!tpu.dma_semaphore, #tpu.memory_space<semaphore_mem>>) src(%arg7 : memref<256x128xf32, #tpu.memory_space<vmem>>) dst(%dma_wait3A_152 : memref<256x128xf32, #tpu.memory_space<hbm>>)
        %mul3A_153 = arith.constant 2 : i32
        %mul3A_154 = arith.muli %add3A_136, %mul3A_153 : i32
        %add3A_155 = arith.constant 0 : i32
        %add3A_156 = arith.addi %mul3A_154, %add3A_155 : i32
        %dma_start3A_157 = arith.constant 0 : i32
        %dma_start3A_158 = arith.constant 0 : i32
        %dma_start3A_159 = tpu.memref_slice %arg7[%dma_start3A_157, %dma_start3A_158] : memref<256x128xf32, #tpu.memory_space<vmem>> -> memref<128x128xf32, #tpu.memory_space<vmem>>
        %dma_start3A_160 = arith.constant 0 : i32
        %dma_start3A_161 = tpu.memref_slice %arg6[%add3A_156, %dma_start3A_160] : memref<200x128xi32, #tpu.memory_space<vmem>> -> memref<1x128xi32, #tpu.memory_space<vmem>>
        %dma_start3A_162 = tpu.memref_squeeze %dma_start3A_161 : memref<1x128xi32, #tpu.memory_space<vmem>> -> memref<128xi32, #tpu.memory_space<vmem>>
        %dma_start3A_163 = arith.constant 0 : i32
        %dma_start3A_164 = arith.constant 0 : i32
        %dma_start3A_165 = tpu.memref_slice %arg2[%dma_start3A_163, %dma_start3A_164] : memref<100000x128xf32, #tpu.memory_space<hbm>> -> memref<100000x128xf32, #tpu.memory_space<hbm>>
        tpu.enqueue_indirect_dma source(%dma_start3A_165 : memref<100000x128xf32, #tpu.memory_space<hbm>>) target(%dma_start3A_159 : memref<128x128xf32, #tpu.memory_space<vmem>>) offsets(%dma_start3A_162 : memref<128xi32, #tpu.memory_space<vmem>>) semaphore(%arg9 : memref<!tpu.dma_semaphore, #tpu.memory_space<semaphore_mem>>)
        %mul3A_166 = arith.constant 2 : i32
        %mul3A_167 = arith.muli %add3A_136, %mul3A_166 : i32
        %add3A_168 = arith.constant 1 : i32
        %add3A_169 = arith.addi %mul3A_167, %add3A_168 : i32
        %dma_start3A_170 = arith.constant 128 : i32
        %dma_start3A_171 = arith.constant 0 : i32
        %dma_start3A_172 = tpu.memref_slice %arg7[%dma_start3A_170, %dma_start3A_171] : memref<256x128xf32, #tpu.memory_space<vmem>> -> memref<128x128xf32, #tpu.memory_space<vmem>>
        %dma_start3A_173 = arith.constant 0 : i32
        %dma_start3A_174 = tpu.memref_slice %arg6[%add3A_169, %dma_start3A_173] : memref<200x128xi32, #tpu.memory_space<vmem>> -> memref<1x128xi32, #tpu.memory_space<vmem>>
        %dma_start3A_175 = tpu.memref_squeeze %dma_start3A_174 : memref<1x128xi32, #tpu.memory_space<vmem>> -> memref<128xi32, #tpu.memory_space<vmem>>
        %dma_start3A_176 = arith.constant 0 : i32
        %dma_start3A_177 = arith.constant 0 : i32
        %dma_start3A_178 = tpu.memref_slice %arg2[%dma_start3A_176, %dma_start3A_177] : memref<100000x128xf32, #tpu.memory_space<hbm>> -> memref<100000x128xf32, #tpu.memory_space<hbm>>
        tpu.enqueue_indirect_dma source(%dma_start3A_178 : memref<100000x128xf32, #tpu.memory_space<hbm>>) target(%dma_start3A_172 : memref<128x128xf32, #tpu.memory_space<vmem>>) offsets(%dma_start3A_175 : memref<128xi32, #tpu.memory_space<vmem>>) semaphore(%arg10 : memref<!tpu.dma_semaphore, #tpu.memory_space<semaphore_mem>>)
      } else {
      }
      %add3A_139 = arith.constant 2 : i32
      %add3A_140 = arith.addi %mul3A_60, %add3A_139 : i32
      %add3A_141 = arith.constant 1 : i32
      %add3A_142 = arith.addi %add3A_140, %add3A_141 : i32
      %lt3A_143 = arith.constant 100 : i32
      %lt3A_144 = arith.cmpi slt, %add3A_142, %lt3A_143 : i32
      %convert_element_type3A_145 = arith.extui %lt3A_144 : i1 to i32
      %cond3A_146 = arith.constant 0 : i32
      %cond3A_147 = arith.cmpi ne, %convert_element_type3A_145, %cond3A_146 : i32
      scf.if %cond3A_147 {
        %dma_wait3A_149 = arith.constant 0 : i32
        %dma_wait3A_150 = tpu.memref_slice %arg5[%mul3A_4, %dma_wait3A_149] : memref<819200x128xf32, #tpu.memory_space<hbm>> -> memref<256x128xf32, #tpu.memory_space<hbm>>
        %dma_wait3A_151 = arith.constant 0 : i32
        %dma_wait3A_152 = tpu.memref_slice %arg5[%mul3A_4, %dma_wait3A_151] : memref<819200x128xf32, #tpu.memory_space<hbm>> -> memref<256x128xf32, #tpu.memory_space<hbm>>
        tpu.wait_dma2 semaphore(%arg14 : memref<!tpu.dma_semaphore, #tpu.memory_space<semaphore_mem>>) src(%arg8 : memref<256x128xf32, #tpu.memory_space<vmem>>) dst(%dma_wait3A_152 : memref<256x128xf32, #tpu.memory_space<hbm>>)
        %mul3A_153 = arith.constant 2 : i32
        %mul3A_154 = arith.muli %add3A_142, %mul3A_153 : i32
        %add3A_155 = arith.constant 0 : i32
        %add3A_156 = arith.addi %mul3A_154, %add3A_155 : i32
        %dma_start3A_157 = arith.constant 0 : i32
        %dma_start3A_158 = arith.constant 0 : i32
        %dma_start3A_159 = tpu.memref_slice %arg8[%dma_start3A_157, %dma_start3A_158] : memref<256x128xf32, #tpu.memory_space<vmem>> -> memref<128x128xf32, #tpu.memory_space<vmem>>
        %dma_start3A_160 = arith.constant 0 : i32
        %dma_start3A_161 = tpu.memref_slice %arg6[%add3A_156, %dma_start3A_160] : memref<200x128xi32, #tpu.memory_space<vmem>> -> memref<1x128xi32, #tpu.memory_space<vmem>>
        %dma_start3A_162 = tpu.memref_squeeze %dma_start3A_161 : memref<1x128xi32, #tpu.memory_space<vmem>> -> memref<128xi32, #tpu.memory_space<vmem>>
        %dma_start3A_163 = arith.constant 0 : i32
        %dma_start3A_164 = arith.constant 0 : i32
        %dma_start3A_165 = tpu.memref_slice %arg2[%dma_start3A_163, %dma_start3A_164] : memref<100000x128xf32, #tpu.memory_space<hbm>> -> memref<100000x128xf32, #tpu.memory_space<hbm>>
        tpu.enqueue_indirect_dma source(%dma_start3A_165 : memref<100000x128xf32, #tpu.memory_space<hbm>>) target(%dma_start3A_159 : memref<128x128xf32, #tpu.memory_space<vmem>>) offsets(%dma_start3A_162 : memref<128xi32, #tpu.memory_space<vmem>>) semaphore(%arg11 : memref<!tpu.dma_semaphore, #tpu.memory_space<semaphore_mem>>)
        %mul3A_166 = arith.constant 2 : i32
        %mul3A_167 = arith.muli %add3A_142, %mul3A_166 : i32
        %add3A_168 = arith.constant 1 : i32
        %add3A_169 = arith.addi %mul3A_167, %add3A_168 : i32
        %dma_start3A_170 = arith.constant 128 : i32
        %dma_start3A_171 = arith.constant 0 : i32
        %dma_start3A_172 = tpu.memref_slice %arg8[%dma_start3A_170, %dma_start3A_171] : memref<256x128xf32, #tpu.memory_space<vmem>> -> memref<128x128xf32, #tpu.memory_space<vmem>>
        %dma_start3A_173 = arith.constant 0 : i32
        %dma_start3A_174 = tpu.memref_slice %arg6[%add3A_169, %dma_start3A_173] : memref<200x128xi32, #tpu.memory_space<vmem>> -> memref<1x128xi32, #tpu.memory_space<vmem>>
        %dma_start3A_175 = tpu.memref_squeeze %dma_start3A_174 : memref<1x128xi32, #tpu.memory_space<vmem>> -> memref<128xi32, #tpu.memory_space<vmem>>
        %dma_start3A_176 = arith.constant 0 : i32
        %dma_start3A_177 = arith.constant 0 : i32
        %dma_start3A_178 = tpu.memref_slice %arg2[%dma_start3A_176, %dma_start3A_177] : memref<100000x128xf32, #tpu.memory_space<hbm>> -> memref<100000x128xf32, #tpu.memory_space<hbm>>
        tpu.enqueue_indirect_dma source(%dma_start3A_178 : memref<100000x128xf32, #tpu.memory_space<hbm>>) target(%dma_start3A_172 : memref<128x128xf32, #tpu.memory_space<vmem>>) offsets(%dma_start3A_175 : memref<128xi32, #tpu.memory_space<vmem>>) semaphore(%arg12 : memref<!tpu.dma_semaphore, #tpu.memory_space<semaphore_mem>>)
      } else {
      }
      %scan3A_148 = arith.constant 0 : i32
      scf.yield %scan3A_148 : i32
    }
    %scan3A_49 = arith.constant 50 : i32
    %dma_wait3A = arith.constant 0 : i32
    %dma_wait3A_50 = tpu.memref_slice %arg5[%mul3A_4, %dma_wait3A] : memref<819200x128xf32, #tpu.memory_space<hbm>> -> memref<256x128xf32, #tpu.memory_space<hbm>>
    %dma_wait3A_51 = arith.constant 0 : i32
    %dma_wait3A_52 = tpu.memref_slice %arg5[%mul3A_4, %dma_wait3A_51] : memref<819200x128xf32, #tpu.memory_space<hbm>> -> memref<256x128xf32, #tpu.memory_space<hbm>>
    tpu.wait_dma2 semaphore(%arg13 : memref<!tpu.dma_semaphore, #tpu.memory_space<semaphore_mem>>) src(%arg7 : memref<256x128xf32, #tpu.memory_space<vmem>>) dst(%dma_wait3A_52 : memref<256x128xf32, #tpu.memory_space<hbm>>)
    %dma_wait3A_53 = arith.constant 0 : i32
    %dma_wait3A_54 = tpu.memref_slice %arg5[%mul3A_4, %dma_wait3A_53] : memref<819200x128xf32, #tpu.memory_space<hbm>> -> memref<256x128xf32, #tpu.memory_space<hbm>>
    %dma_wait3A_55 = arith.constant 0 : i32
    %dma_wait3A_56 = tpu.memref_slice %arg5[%mul3A_4, %dma_wait3A_55] : memref<819200x128xf32, #tpu.memory_space<hbm>> -> memref<256x128xf32, #tpu.memory_space<hbm>>
    tpu.wait_dma2 semaphore(%arg14 : memref<!tpu.dma_semaphore, #tpu.memory_space<semaphore_mem>>) src(%arg8 : memref<256x128xf32, #tpu.memory_space<vmem>>) dst(%dma_wait3A_56 : memref<256x128xf32, #tpu.memory_space<hbm>>)
    return
  }
}

</mosaic_0001>

<sc_bundles>
// kernel: kernel.3.cloned.1.call-start
scs
__scs_entry_jumppad:
0x0: {  	(pc) =	sbr.rel $0x88, $3  }
0x1: {  	(tag) =	ssettag $0x0;
	lr =	simm.s32 $0x1  }
0x2: {  	[smem:$0x3F9F] =	sst lr;
	_ =	strace $0xD0000000  }
0x3: {  	_ = 	snop  }
0x4: {  	_ = 	snop  }
0x5: {  	_ = 	snop  }
0x6: {  	_ = 	snop  }
0x7: {  	_ = 	snop  }
__scs_overlays_trampoline_lowered:
0x8: {  	[smem:$0x3FAE] =	sst s0  }
0x9: {  	[smem:$0x3FAF] =	sst s1  }
0xa: {  	[smem:$0x3FB0] =	sst s2  }
0xb: {  	[smem:$0x3FB1] =	sst s3  }
0xc: {  	[smem:$0x3FB2] =	sst s4  }
0xd: {  	[smem:$0x3FB3] =	sst s5  }
0xe: {  	[smem:$0x3FB4] =	sst s6  }
0xf: {  	[smem:$0x3FB5] =	sst s7  }
0x10: {  	[smem:$0x3FB6] =	sst s8  }
0x11: {  	[smem:$0x3FB7] =	sst s9;
	s0 =	simm.s32 @!p0 $0x0  }
0x12: {  	s1 =	sld [smem:$0x3F9D];
	s0 =	simm.s32 @p0 $0x1  }
0x13: {  	[smem:$0x3FB8] =	sst s0;
	s0 =	simm.s32 @!p1 $0x0  }
0x14: {  	s2 =	sld [smem:$0x3F9C];
	s0 =	simm.s32 @p1 $0x1  }
0x15: {  	[smem:$0x3FB9] =	sst s0;
	s0 =	simm.s32 @!p2 $0x0  }
0x16: {  	s3 =	sld [smem:$0x3FDB];
	s0 =	simm.s32 @p2 $0x1  }
0x17: {  	s4 =	simm.s32 $0x1BF5;
	[smem:$0x3FBB] =	sst s0  }
0x18: {  	s0 =	sld [smem:$0x3F9E];
	_ =	swait.ge [sflag:s4], $0x0  }
0x19: {  	s7 =	sld [smem:$0x3F9F]  }
0x1a: {  	s8 =	sadd.s32 $0xFFFFE003, lr  }
0x1b: {  	s9 =	sadd.s32 $0xFFFFFEF7, lr;
	s5 =	simm.s32 $0xFFFFFFFF;
	p2 =	slt.u32 s8, $0xFFFFF086  }
0x1c: {  	p1 =	slt.u32 s9, $0xF7A;
	s5 =	simm.s32 @!p2 $0x0  }
0x1d: {  	s5 =	simm.s32 @p1 $0x1;
	p0 =	seq.s32 s7, s2  }
0x1e: {  	s7 =	smul.u32 @!p0 $0xF7A, s2;
	p2 =	seq.s32 @!p0 s5, $0x0  }
0x1f: {  	s9 =	smul.u32 $0xF7A, s1;
	s8 =	simm.s32 @!p0 $0x1BF5;
	p2 =	por !p2, p0  }
0x20: {  	[sflag:s8] =	ssyncset.s32 @!p0 $0xFFFFF086;
	s6 =	sadd.s32 @!p0 s3, s7;
	s7 =	simm.s32 @!p0 $0x108  }
0x21: {  	s3 =	sadd.s32 s3, s9;
	s6 =	sadd.s32 @!p0 $0x88, s6;
	s7 =	simm.s32 @p2 $0x1082  }
0x22: {  	[simem:s7], [sflag:s8] =	dma.local @!p0 [hbm:s6], $0xF7A  }
0x23: {  	s9 =	sor.u32 $0xD0000000, s2;
	s6 =	simm.s32 $0x108;
	_ =	swait.ge @!p0 [sflag:s8], $0x0  }
0x24: {  	s3 =	sadd.s32 $0x88, s3;
	s6 =	simm.s32 @!p1 $0x1082;
	[sflag:s4] =	ssyncset.s32 $0xFFFFF086  }
0x25: {  	[simem:s6], [sflag:s4] =	dma.local [hbm:s3], $0xF7A  }
0x26: {  	[smem:$0x3F9F] =	sst s1;
	(tag) =	ssettag s2;
	_ =	strace s9  }
0x27: {  	s1 =	sld [smem:$0x3FAF]  }
0x28: {  	s2 =	sld [smem:$0x3FB0]  }
0x29: {  	s4 =	sld [smem:$0x3FB2]  }
0x2a: {  	p0 =	seq.s32 s5, $0x0;
	s5 =	sld [smem:$0x3FB3]  }
0x2b: {  	s6 =	sld [smem:$0x3FB4]  }
0x2c: {  	s7 =	sld [smem:$0x3FB5]  }
0x2d: {  	s3 =	simm.s32 $0x108;
	s8 =	sld [smem:$0x3FB6]  }
0x2e: {  	s3 =	simm.s32 @!p0 $0x1082;
	s9 =	sld [smem:$0x3FB7]  }
0x2f: {  	lr =	sadd.s32 s0, s3;
	s0 =	sld [smem:$0x3FAE]  }
0x30: {  	s3 =	sld [smem:$0x3FB1]  }
0x31: {  	[smem:$0x3FBA] =	sst s10  }
0x32: {  	s10 =	sld [smem:$0x3FB8];
	_ =	sdelay $0x3  }
0x33: {  	p0 =	seq.s32 s10, $0x1;
	s10 =	sld [smem:$0x3FBA];
	_ =	sdelay $0x3  }
0x34: {  	[smem:$0x3FBA] =	sst s10  }
0x35: {  	s10 =	sld [smem:$0x3FB9];
	_ =	sdelay $0x3  }
0x36: {  	p1 =	seq.s32 s10, $0x1;
	s10 =	sld [smem:$0x3FBA];
	_ =	sdelay $0x3  }
0x37: {  	[smem:$0x3FBA] =	sst s10  }
0x38: {  	s10 =	sld [smem:$0x3FBB]  }
0x39: {  	_ = 	snop;
	(pc) =	sbr.ind lr, $3  }
0x3a: {  	_ = 	snop  }
0x3b: {  	_ = 	snop  }
0x3c: {  	p2 =	seq.s32 s10, $0x1;
	s10 =	sld [smem:$0x3FBA]  }
0x3d: {  	_ =	shalt  }
0x3e: {  	_ =	shalt  }
0x3f: {  	_ =	shalt  }
0x40: {  	_ =	shalt  }
0x41: {  	_ =	shalt  }
0x42: {  	_ =	shalt  }
0x43: {  	_ =	shalt  }
0x44: {  	_ =	shalt  }
0x45: {  	_ =	shalt  }
0x46: {  	_ =	shalt  }
0x47: {  	_ =	shalt  }
0x48: {  	_ =	shalt  }
0x49: {  	_ =	shalt  }
0x4a: {  	_ =	shalt  }
0x4b: {  	_ =	shalt  }
0x4c: {  	_ =	shalt  }
0x4d: {  	_ =	shalt  }
0x4e: {  	_ =	shalt  }
0x4f: {  	_ =	shalt  }
0x50: {  	_ =	shalt  }
0x51: {  	_ =	shalt  }
0x52: {  	_ =	shalt  }
0x53: {  	_ =	shalt  }
0x54: {  	_ =	shalt  }
0x55: {  	_ =	shalt  }
0x56: {  	_ =	shalt  }
0x57: {  	_ =	shalt  }
0x58: {  	_ =	shalt  }
0x59: {  	_ =	shalt  }
0x5a: {  	_ =	shalt  }
0x5b: {  	_ =	shalt  }
0x5c: {  	_ =	shalt  }
0x5d: {  	_ =	shalt  }
0x5e: {  	_ =	shalt  }
0x5f: {  	_ =	shalt  }
0x60: {  	_ =	shalt  }
0x61: {  	_ =	shalt  }
0x62: {  	_ =	shalt  }
0x63: {  	_ =	shalt  }
0x64: {  	_ =	shalt  }
0x65: {  	_ =	shalt  }
0x66: {  	_ =	shalt  }
0x67: {  	_ =	shalt  }
0x68: {  	_ =	shalt  }
0x69: {  	_ =	shalt  }
0x6a: {  	_ =	shalt  }
0x6b: {  	_ =	shalt  }
0x6c: {  	_ =	shalt  }
0x6d: {  	_ =	shalt  }
0x6e: {  	_ =	shalt  }
0x6f: {  	_ =	shalt  }
0x70: {  	_ =	shalt  }
0x71: {  	_ =	shalt  }
0x72: {  	_ =	shalt  }
0x73: {  	_ =	shalt  }
0x74: {  	_ =	shalt  }
0x75: {  	_ =	shalt  }
0x76: {  	_ =	shalt  }
0x77: {  	_ =	shalt  }
0x78: {  	_ =	shalt  }
0x79: {  	_ =	shalt  }
0x7a: {  	_ =	shalt  }
0x7b: {  	_ =	shalt  }
0x7c: {  	_ =	shalt  }
0x7d: {  	_ =	shalt  }
0x7e: {  	_ =	shalt  }
0x7f: {  	_ =	shalt  }
0x80: {  	_ =	shalt  }
0x81: {  	_ =	shalt  }
0x82: {  	_ =	shalt  }
0x83: {  	_ =	shalt  }
0x84: {  	_ =	shalt  }
0x85: {  	_ =	shalt  }
0x86: {  	_ =	shalt  }
0x87: {  	_ =	shalt  }
.Lfunc_end0:
.L_simem_size_0:
called_computation_lowered:
.L_overlay_start_0:
0x88: {  	s2 =	sld [smem:$0x3FD9]  }
0x89: {  	s3 =	sld [smem:$0x3FFE];
	_ =	sdelay $0x1  }
0x8a: {  	s1 =	srdreg.scid  }
0x8b: {  	s0 =	sand.u32 $0x1, s1  }
0x8c: {  	s17 =	sshll.u32 s0, $0xA;
	s2 =	sadd.s32 s3, s2  }
0x8d: {  	s2 =	sadd.s32 s2, s17  }
0x8e: {  	[smem:$0x3FC6] =	sst s2  }
0x8f: {  	_ = 	snop  }
0x90: {  	s2 =	sld [smem:$0x3FC8]  }
0x91: {  	s18 =	sld [smem:$0x3FD0];
	(tm) =	ssettm $0x1  }
0x92: {  	s4 =	sld [smem:$0x3FFB];
	_ =	sdelay $0x3  }
0x93: {  	_ =	strace s4  }
0x94: {  	s4 =	sld [smem:$0x3FFC];
	_ =	sdelay $0x3  }
0x95: {  	_ =	strace s4  }
0x96: {  	s4 =	sld [smem:$0x3FFD];
	_ =	sdelay $0x3  }
0x97: {  	_ =	strace s4  }
0x98: {  	_ =	strace $0x8FFFFFFF  }
0x99: {  	s19 =	sld [smem:$0x3FDB];
	_ =	sdelay $0x1  }
0x9a: {  	s5 =	simm.s32 $_scs_section_size  }
0x9b: {  	s6 =	simm.s32 $_size__tile_overlayer_lowered;
	s7 =	simm.s32 $_tile_overlayer_lowered  }
0x9c: {  	s22 =	simm.s32 $0x1BFF;
	s21 =	sshll.u32 s7, $0x1;
	s4 =	sadd.s32 s5, s19  }
0x9d: {  	s8 =	simm.s32 $0x0;
	s20 =	sshll.u32 s6, $0x1;
	s6 =	sadd.s32 s21, s4  }
0x9e: {  	[timem:s8], [sflag:s22] =	dma.local [hbm:s6], s20  }
0x9f: {  	_ =	swait.ge [sflag:s22], s20  }
0xa0: {  	s5 =	ssub.s32 $0x0, s20;
	[sflag:s22] =	ssyncset.done $0x0  }
0xa1: {  	[sflag:s22] =	ssyncadd.s32 s5;
	_ =	sdelay $0x1  }
0xa2: {  	s23 =	simm.s32 $0x1B8B  }
0xa3: {  	_ =	swait.ge [sflag:s23], $0x1  }
0xa4: {  	[sflag:s23] =	ssyncset.done $0x0  }
0xa5: {  	s25 =	simm.s32 $0x1B8E;
	s24 =	sld [smem:$0x3FFE];
	[sflag:s23] =	ssyncadd.s32 $0xFFFFFFFF  }
0xa6: {  	s26 =	simm.s32 $execute0_lowered;
	[smem:$0x3FD2] =	sst s25  }
0xa7: {  	s6 =	sshll.u32 s26, $0x1;
	_ =	strace $0x80000046;
	[dreg:$0x1] =	wrdreg $0xFFFFFFFF  }
0xa8: {  	s28 =	simm.s32 $_size_execute0_lowered;
	s4 =	sadd.s32 s4, s6;
	[dreg:$0x0] =	wrdreg $0x0  }
0xa9: {  	s6 =	sshll.u32 s28, $0x1;
	[dreg:$0x2] =	wrdreg s4  }
0xaa: {  	[dreg:$0x3] =	wrdreg s6  }
0xab: {  	[dreg:$0x4] =	wrdreg $0xC0  }
0xac: {  	_ =	task [dreg:s8], $0x5FFFF  }
0xad: {  	[dreg:$0x1] =	wrdreg $0xFFFFFFFF  }
0xae: {  	[dreg:$0x0] =	wrdreg $0x60  }
0xaf: {  	[dreg:$0x2] =	wrdreg s2  }
0xb0: {  	[dreg:$0x3] =	wrdreg s24  }
0xb1: {  	[dreg:$0x4] =	wrdreg s18  }
0xb2: {  	[dreg:$0x5] =	wrdreg $0x9  }
0xb3: {  	_ =	task.clear_ibuf [dreg:s8], $0x6FFFF;
	_ =	strace $0x90000046  }
0xb4: {  	s29 =	simm.s32 $0x9;
	_ =	strace $0x80000048  }
0xb5: {  	_ =	swait.ge [sflag:s29], $0x1  }
0xb6: {  	[sflag:s29] =	ssyncadd.s32 $0xFFFFFFFF  }
0xb7: {  	_ =	strace $0x90000048  }
0xb8: {  	_ =	sfence  }
0xb9: {  	s30 =	sld [smem:$0x0];
	_ =	sdelay $0x2  }
0xba: {  	s31 =	sshll.u32 s1, $0xD;
	s1 =	sshrl.u32 s1, $0x2  }
0xbb: {  	s3 =	sand.u32 $0x4000, s31;
	s1 =	sadd.s32 s1, s30  }
0xbc: {  	s0 =	sor.u32 s3, s0;
	s1 =	sshll.u32 s1, $0x11  }
0xbd: {  	s0 =	sor.u32 s1, s0  }
0xbe: {  	s0 =	sadd.s32 $0x8F2B, s0  }
0xbf: {  	[sflag:s0] =	ssyncadd.remote.s32 $0x1  }
0xc0: {  	_ =	sfence.sel $0xFFFF  }
0xc1: {  	[dreg:$0x0] =	wrdreg $0xFFFFFFFF;
	(pc) =	sbr.abs _section_cstart, $3  }
0xc2: {  	[dreg:$0x1] =	wrdreg $0xFFFFFFFF  }
0xc3: {  	_ =	task.clear_ibuf [dreg:s8], $0x2FFFF;
	_ =	strace $0x9FFFFFFF  }
0xc4: {  	(tm) =	ssettm $0x7FFFFFFF  }
0xc5: {  	_ =	shalt  }
tec
execute0_lowered:
.L_overlay_start_1:
0x0: {  	(tag) =	ssettag $0x1  }
0x1: {  	s1 =	rddreg [dreg:$0x0]  }
0x2: {  	s5 =	rddreg [dreg:$0x1];
	s2 =	srdreg.scid  }
0x3: {  	s0 =	stileid.u32;
	s3 =	rddreg [dreg:$0x2]  }
0x4: {  	s4 =	simm.s32 $0x0;
	s11 =	simm.s32 $0x7;
	s12 =	simm.s32 $0x80  }
0x5: {  	s13 =	simm.s32 $0x6400;
	s14 =	simm.s32 $0xA400;
	s15 =	simm.s32 $0x100  }
0x6: {  	s16 =	simm.s32 $0xE400;
	s17 =	simm.s32 $0x180;
	s18 =	simm.s32 $0x12400  }
0x7: {  	s19 =	simm.s32 $0x1;
	s20 =	simm.s32 $0x2;
	s21 =	simm.s32 $0x3  }
0x8: {  	s22 =	simm.s32 $0x4;
	s6 =	sand.u32 $0x1, s2;
	s7 =	sshll.u32 s0, $0x1  }
0x9: {  	s23 =	simm.s32 $0x5;
	s24 =	simm.s32 $0x6;
	s7 =	sor.u32 s6, s7  }
0xa: {  	s25 =	simm.s32 $0x0;
	s2 =	rddreg [dreg:$0x3];
	s8 =	smul.u32 $0xC80, s7  }
.Ltmp0:
0xb: {  	[smem:$0x7FF] =	sst s4;
	s6 =	ssub.s32 $0x2, s6;
	(pc) =	sbr.rel .LBB2_1-.Ltmp0, $4  }
0xc: {  	_ =	strace $0x80000047;
	s9 =	sshrl.u32 s6, $0x1;
	s10 =	smul.u32 $0x64000, s7  }
0xd: {  	s7 =	smul.u32 $0x320000, s7;
	s9 =	ssub.s32 s6, s9;
	s8 =	sadd.s32 s8, s5  }
0xe: {  	s5 =	sadd.s32 $0x19400, s5;
	s10 =	sadd.s32 s10, s3;
	s6 =	sadd.s32 $0x400, s8  }
0xf: {  	s8 =	smax.u32 s9, $0x1;
	s9 =	sadd.s32 $0x1000, s10;
	s10 =	simm.s32 $0x16400  }
.LBB2_8:
0x10: {  	s25 =	sadd.s32 $0x1, s25  }
0x11: {  	_ =	swait.ge [sflag:s23], $0x8000;
	p0 =	sne.s32 s25, s8  }
.Ltmp1:
0x12: {  	[sflag:s23] =	ssyncset.done $0x0;
	(pc) =	sbr.rel @!p0 .LBB2_9-.Ltmp1, $4  }
0x13: {  	[sflag:s23] =	ssyncadd.s32 $0xFFFF8000  }
0x14: {  	_ =	swait.ge [sflag:s24], $0x8000  }
0x15: {  	[sflag:s24] =	ssyncset.done $0x0  }
0x16: {  	[sflag:s24] =	ssyncadd.s32 $0xFFFF8000  }
.LBB2_1:
0x17: {  	[tilespmem:s10], [sflag:$0x7] =	stream.linear.gather [hbm4b:s5+s4], $0x1, $0x38;
	[tilespmem:$0x16480] =	vst v63  }
0x18: {  	_ =	swait.ge [sflag:s11], $0x1  }
0x19: {  	[sflag:s11] =	ssyncset.done $0x0  }
0x1a: {  	[sflag:s11] =	ssyncadd.s32 $0xFFFFFFFF  }
0x1b: {  	v0 =	vld.msk [tilespmem:$0x16400 ss:$0x0], $0xffff;
	[tilespmem:s4], [sflag:$0x7] =	stream.linear.gather [hbm4b:s6+s4], $0x6400, $0x38  }
0x1c: {  	_ =	swait.ge [sflag:s11], $0x6400  }
0x1d: {  	[sflag:s11] =	ssyncset.done $0x0  }
0x1e: {  	[sflag:s11] =	ssyncadd.s32 $0xFFFF9C00  }
0x1f: {  	[tilespmem:s13], [sflag:$0x1] =	stream.indirect.gather [hbm4b:s1+s12], $0x80, s4, s12, $0xb8;
	[tilespmem:$0x16480] =	vst v63  }
0x20: {  	_ = 	snop  }
0x21: {  	[tilespmem:s14], [sflag:$0x2] =	stream.indirect.gather [hbm4b:s1+s12], $0x80, s12, s12, $0xb8;
	[tilespmem:$0x16480] =	vst v63  }
0x22: {  	_ = 	snop  }
0x23: {  	[tilespmem:s16], [sflag:$0x3] =	stream.indirect.gather [hbm4b:s1+s12], $0x80, s15, s12, $0xb8;
	[tilespmem:$0x16480] =	vst v63  }
0x24: {  	s26 =	simm.s32 $0x0  }
0x25: {  	[tilespmem:s18], [sflag:$0x4] =	stream.indirect.gather [hbm4b:s1+s12], $0x80, s17, s12, $0xb8;
	[tilespmem:$0x16480] =	vst v63  }
.LBB2_2:
0x26: {  	_ =	swait.ge [sflag:s19], $0x4000  }
0x27: {  	[sflag:s19] =	ssyncset.done $0x0  }
0x28: {  	[sflag:s19] =	ssyncadd.s32 $0xFFFFC000  }
0x29: {  	_ =	swait.ge [sflag:s20], $0x4000  }
0x2a: {  	[sflag:s20] =	ssyncset.done $0x0  }
0x2b: {  	s28 =	simm.s32 $0x0;
	[sflag:s20] =	ssyncadd.s32 $0xFFFFC000  }
0x2c: {  	v4 =	vld [tilespmem:s28+$0x6400]  }
0x2d: {  	v6 =	vld [tilespmem:s28+$0x6410]  }
0x2e: {  	v5 =	vld [tilespmem:s28+$0x6420]  }
0x2f: {  	v3 =	vld [tilespmem:s28+$0x6430]  }
0x30: {  	v1 =	vld [tilespmem:s28+$0x6440]  }
0x31: {  	v2 =	vld [tilespmem:s28+$0x6450];
	v7 =	vmul.f32 v4, v0  }
0x32: {  	s29 =	simm.s32 $0x200;
	v6 =	vmul.f32 v6, v0;
	v4 =	vld [tilespmem:s28+$0x6460]  }
.LBB2_3:
0x33: {  	s30 =	sshra.s32 s29, $0x2;
	p0 =	sne.s32 s29, $0x1FE00;
	[tilespmem:s28+$0x6400] =	vst v7;
	v5 =	vmul.f32 v5, v0;
	v7 =	vld [tilespmem:s28+$0x6470]  }
0x34: {  	v8 =	vld [tilespmem:s30+$0x6400];
	[tilespmem:s28+$0x6410] =	vst v6;
	v3 =	vmul.f32 v3, v0  }
0x35: {  	v6 =	vld [tilespmem:s30+$0x6410];
	[tilespmem:s28+$0x6420] =	vst v5;
	v1 =	vmul.f32 v1, v0  }
.Ltmp2:
0x36: {  	v5 =	vld [tilespmem:s30+$0x6420];
	[tilespmem:s28+$0x6430] =	vst v3;
	v2 =	vmul.f32 v2, v0;
	(pc) =	sbr.rel @p0 .LBB2_3-.Ltmp2, $4  }
0x37: {  	v3 =	vld [tilespmem:s30+$0x6430];
	[tilespmem:s28+$0x6440] =	vst v1;
	v4 =	vmul.f32 v4, v0  }
0x38: {  	v1 =	vld [tilespmem:s30+$0x6440];
	[tilespmem:s28+$0x6450] =	vst v2;
	v9 =	vmul.f32 v7, v0  }
0x39: {  	v7 =	vmul.f32 v8, v0;
	v2 =	vld [tilespmem:s30+$0x6450];
	[tilespmem:s28+$0x6460] =	vst v4  }
0x3a: {  	s29 =	sadd.s32 $0x200, s29;
	v6 =	vmul.f32 v6, v0;
	v4 =	vld [tilespmem:s30+$0x6460];
	[tilespmem:s28+$0x6470] =	vst v9;
	s28 =	smov.u32 s30  }
0x3b: {  	[tilespmem:s28+$0x6400] =	vst v7;
	v5 =	vmul.f32 v5, v0;
	v7 =	vld [tilespmem:s28+$0x6470]  }
0x3c: {  	[tilespmem:s28+$0x6410] =	vst v6;
	v3 =	vmul.f32 v3, v0  }
0x3d: {  	[tilespmem:s28+$0x6420] =	vst v5;
	v1 =	vmul.f32 v1, v0  }
0x3e: {  	[tilespmem:s28+$0x6430] =	vst v3;
	v2 =	vmul.f32 v2, v0  }
0x3f: {  	s29 =	sshll.u32 s26, $0x10;
	[tilespmem:s28+$0x6440] =	vst v1;
	v1 =	vmul.f32 v4, v0  }
0x40: {  	s29 =	sadd.s32 s7, s29;
	[tilespmem:s28+$0x6450] =	vst v2;
	v2 =	vmul.f32 v7, v0  }
0x41: {  	s29 =	sshrl.u32 s29, $0x3;
	[tilespmem:s28+$0x6460] =	vst v1  }
0x42: {  	[tilespmem:s28+$0x6470] =	vst v2;
	s28 =	sadd.s32 s3, s29;
	s29 =	simm.s32 $0x0  }
0x43: {  	[hbm4b:s28+s29] =	stream.linear.scatter [tilespmem:s13], [sflag:$0x5], $0x8000, $0x38;
	[tilespmem:$0x16480] =	vst v63  }
0x44: {  	_ =	swait.ge [sflag:s21], $0x4000  }
0x45: {  	[sflag:s21] =	ssyncset.done $0x0  }
0x46: {  	[sflag:s21] =	ssyncadd.s32 $0xFFFFC000  }
0x47: {  	_ =	swait.ge [sflag:s22], $0x4000  }
0x48: {  	[sflag:s22] =	ssyncset.done $0x0  }
0x49: {  	s28 =	simm.s32 $0x0;
	[sflag:s22] =	ssyncadd.s32 $0xFFFFC000  }
0x4a: {  	v4 =	vld [tilespmem:s28+$0xE400]  }
0x4b: {  	v6 =	vld [tilespmem:s28+$0xE410]  }
0x4c: {  	v5 =	vld [tilespmem:s28+$0xE420]  }
0x4d: {  	v3 =	vld [tilespmem:s28+$0xE430]  }
0x4e: {  	v1 =	vld [tilespmem:s28+$0xE440]  }
0x4f: {  	v2 =	vld [tilespmem:s28+$0xE450];
	v7 =	vmul.f32 v4, v0  }
0x50: {  	s29 =	simm.s32 $0x200;
	v6 =	vmul.f32 v6, v0;
	v4 =	vld [tilespmem:s28+$0xE460]  }
.LBB2_5:
0x51: {  	s30 =	sshra.s32 s29, $0x2;
	p0 =	sne.s32 s29, $0x1FE00;
	[tilespmem:s28+$0xE400] =	vst v7;
	v5 =	vmul.f32 v5, v0;
	v7 =	vld [tilespmem:s28+$0xE470]  }
0x52: {  	v8 =	vld [tilespmem:s30+$0xE400];
	[tilespmem:s28+$0xE410] =	vst v6;
	v3 =	vmul.f32 v3, v0  }
0x53: {  	v6 =	vld [tilespmem:s30+$0xE410];
	[tilespmem:s28+$0xE420] =	vst v5;
	v1 =	vmul.f32 v1, v0  }
.Ltmp3:
0x54: {  	v5 =	vld [tilespmem:s30+$0xE420];
	[tilespmem:s28+$0xE430] =	vst v3;
	v2 =	vmul.f32 v2, v0;
	(pc) =	sbr.rel @p0 .LBB2_5-.Ltmp3, $4  }
0x55: {  	v3 =	vld [tilespmem:s30+$0xE430];
	[tilespmem:s28+$0xE440] =	vst v1;
	v4 =	vmul.f32 v4, v0  }
0x56: {  	v1 =	vld [tilespmem:s30+$0xE440];
	[tilespmem:s28+$0xE450] =	vst v2;
	v9 =	vmul.f32 v7, v0  }
0x57: {  	v7 =	vmul.f32 v8, v0;
	v2 =	vld [tilespmem:s30+$0xE450];
	[tilespmem:s28+$0xE460] =	vst v4  }
0x58: {  	s29 =	sadd.s32 $0x200, s29;
	v6 =	vmul.f32 v6, v0;
	v4 =	vld [tilespmem:s30+$0xE460];
	[tilespmem:s28+$0xE470] =	vst v9;
	s28 =	smov.u32 s30  }
0x59: {  	[tilespmem:s28+$0xE400] =	vst v7;
	v5 =	vmul.f32 v5, v0;
	v63 =	vld [tilespmem:s28+$0xE470]  }
0x5a: {  	[tilespmem:s28+$0xE410] =	vst v6;
	v3 =	vmul.f32 v3, v0  }
0x5b: {  	[tilespmem:s28+$0xE420] =	vst v5;
	v1 =	vmul.f32 v1, v0  }
0x5c: {  	p0 =	seq.s32 s26, $0x31;
	[tilespmem:s28+$0xE430] =	vst v3;
	v2 =	vmul.f32 v2, v0  }
.Ltmp4:
0x5d: {  	[tilespmem:s28+$0xE440] =	vst v1;
	v1 =	vmul.f32 v4, v0;
	(pc) =	sbr.rel @p0 .LBB2_8-.Ltmp4, $4  }
0x5e: {  	[tilespmem:s28+$0xE450] =	vst v2;
	v2 =	vmul.f32 v63, v0  }
0x5f: {  	s29 =	sshll.u32 s26, $0xD;
	[tilespmem:s28+$0xE460] =	vst v1  }
0x60: {  	s31 =	sadd.s32 s9, s29;
	[tilespmem:s28+$0xE470] =	vst v2  }
0x61: {  	[hbm4b:s31+s4] =	stream.linear.scatter [tilespmem:s16], [sflag:$0x6], $0x8000, $0x38;
	[tilespmem:$0x16480] =	vst v63  }
0x62: {  	_ =	swait.ge [sflag:s23], $0x8000;
	s28 =	sshll.u32 s26, $0x9  }
0x63: {  	[sflag:s23] =	ssyncset.done $0x0;
	s28 =	sand.u32 $0x3FFFFE00, s28  }
0x64: {  	[sflag:s23] =	ssyncadd.s32 $0xFFFF8000;
	s29 =	sadd.s32 $0x200, s28  }
0x65: {  	[tilespmem:s13], [sflag:$0x1] =	stream.indirect.gather [hbm4b:s1+s12], $0x80, s29, s12, $0xb8;
	[tilespmem:$0x16480] =	vst v63  }
0x66: {  	s30 =	sadd.s32 $0x280, s28  }
0x67: {  	[tilespmem:s14], [sflag:$0x2] =	stream.indirect.gather [hbm4b:s1+s12], $0x80, s30, s12, $0xb8;
	[tilespmem:$0x16480] =	vst v63  }
0x68: {  	_ =	swait.ge [sflag:s24], $0x8000  }
.Ltmp5:
0x69: {  	[sflag:s24] =	ssyncset.done $0x0;
	(pc) =	sbr.rel .LBB2_2-.Ltmp5, $4  }
0x6a: {  	s31 =	sadd.s32 $0x300, s28;
	[sflag:s24] =	ssyncadd.s32 $0xFFFF8000  }
0x6b: {  	[tilespmem:s16], [sflag:$0x3] =	stream.indirect.gather [hbm4b:s1+s12], $0x80, s31, s12, $0xb8;
	[tilespmem:$0x16480] =	vst v63  }
0x6c: {  	s26 =	sadd.s32 $0x1, s26;
	s28 =	sadd.s32 $0x380, s28  }
0x6d: {  	[tilespmem:s18], [sflag:$0x4] =	stream.indirect.gather [hbm4b:s1+s12], $0x80, s28, s12, $0xb8;
	[tilespmem:$0x16480] =	vst v63  }
.LBB2_9:
0x6e: {  	_ =	sfence.sel $0x180000  }
0x6f: {  	[bflag:$0x0] =	sbarrier.arrive $0xFFFF  }
0x70: {  	p0 =	sne.s32 s0, $0x0;
	_ =	strace $0x90000047  }
0x71: {  	s0 =	sadd.s32 @!p0 $0x100000, s2;
	[bflag:$0x2] =	sbarrier.arrive $0xFFFF  }
0x72: {  	[sflag:s0] =	ssyncadd.tile.s32 @!p0 $0x1;
	_ =	shalt  }
.Lfunc_end2:
_tile_overlayer_lowered:
.L_overlay_start_2:
0x73: {  	(tag) =	ssettag $0x2  }
0x74: {  	s0 =	rddreg [dreg:$0x0];
	s2 =	stileid.u32  }
0x75: {  	s1 =	rddreg [dreg:$0x1];
	p0 =	sne.s32 s2, $0x0  }
0x76: {  	s3 =	rddreg [dreg:$0x2];
	[bflag:$0x3] =	sbarrier.arrive $0xFFFF;
	s2 =	simm.s32 @!p0 $0x1C07  }
0x77: {  	[timem:s3], [sflag:s2] =	dma.local @!p0 [hbm:s0], s1  }
0x78: {  	s0 =	simm.s32 @!p0 $0x7  }
0x79: {  	_ =	swait.ge @!p0 [sflag:s0], s1  }
0x7a: {  	s1 =	ssub.s32 @!p0 $0x0, s1;
	[sflag:s0] =	ssyncset.done @!p0 $0x0  }
0x7b: {  	[sflag:s0] =	ssyncadd.s32 @!p0 s1  }
0x7c: {  	[bflag:$0x3] =	sbarrier.arrive $0xFFFF  }
0x7d: {  	_ =	shalt  }

</sc_bundles>
